<compile_context>
chip_gen: v7x
topology: tpu7x:2x2x1
jax: 0.10.2.dev20260603
libtpu: 0.0.44.dev20260713+nightly
codegen_flags: <defaults>
</compile_context>

<pallas_src>
import functools

import jax
import jax.numpy as jnp
from jax import lax
from jax.experimental import pallas as pl
from jax.experimental.pallas import tpu as pltpu
from jax.experimental.pallas import tpu_sc as plsc

_L = 16
_N = 64
_D = 192


def _rotl(x, d):
    return lax.shift_left(x, jnp.uint32(d)) | lax.shift_right_logical(
        x, jnp.uint32(32 - d))


def _threefry2x32_zero_count(k1, k2):
    ks = [k1, k2, k1 ^ k2 ^ jnp.uint32(0x1BD11BDA)]
    rot = ((13, 15, 26, 6), (17, 29, 16, 24))
    x0 = ks[0]
    x1 = ks[1]
    for i in range(5):
        for r in rot[i % 2]:
            x0 = x0 + x1
            x1 = _rotl(x1, r) ^ x0
        x0 = x0 + ks[(i + 1) % 3]
        x1 = x1 + ks[(i + 2) % 3] + jnp.uint32(i + 1)
    return x0 ^ x1


@functools.partial(
    pl.kernel,
    out_type=jax.ShapeDtypeStruct((_D,), jnp.float32),
    mesh=plsc.VectorSubcoreMesh(
        core_axis_name="c", subcore_axis_name="s", num_cores=1),
    scratch_types=[
        pltpu.VMEM((_L,), jnp.uint32),
        pltpu.VMEM((_N,), jnp.float32),
        pltpu.VMEM((_N, _D), jnp.float32),
        pltpu.SemaphoreType.DMA,
        pltpu.SemaphoreType.DMA,
        pltpu.SemaphoreType.DMA,
    ],
    compiler_params=pltpu.CompilerParams(needs_layout_passes=False),
)
def _sample(states_hbm, probs_hbm, key_hbm, out_hbm,
            key_v, probs_v, states_v, sem_k, sem_p, sem_s):
    sid = lax.axis_index("s")

    @pl.when(sid == 0)
    def _():
        ck = pltpu.make_async_copy(key_hbm, key_v.at[pl.ds(0, 2)], sem_k)
        cp = pltpu.make_async_copy(probs_hbm, probs_v, sem_p)
        cs = pltpu.make_async_copy(states_hbm, states_v, sem_s)
        ck.start()
        cp.start()
        cs.start()

        ck.wait()
        kvec = key_v[...]
        bits = _threefry2x32_zero_count(kvec[0], kvec[1])
        fbits = lax.shift_right_logical(bits, jnp.uint32(9)) | jnp.uint32(
            0x3F800000)
        f = lax.bitcast_convert_type(fbits, jnp.float32)
        u = f - jnp.float32(1.0)
        one_minus_u = jnp.float32(1.0) - u

        cp.wait()
        carry = jnp.float32(0.0)
        pcs = []
        for j in range(_N // _L):
            v = probs_v[pl.ds(j * _L, _L)]
            pcs.append(plsc.cumsum(v) + carry)
            carry = carry + jnp.sum(v)

        r = carry * one_minus_u
        ind = jnp.int32(0)
        for pc in pcs:
            ind = ind + jnp.sum((pc < r).astype(jnp.int32))

        cs.wait()
        pltpu.sync_copy(states_v.at[ind], out_hbm)


def kernel(states, probabilities, key):
    return _sample(states, probabilities, key)

# --- scband reference (transcript-rebuilt; emitter-appended) ---
"""Pipeline reference for scband-nonergodic-state-sampler-7593502179432 (READ-ONLY COPY).

The authoritative reference and input builder live on the scoring server;
editing this copy changes nothing except your own understanding.
"""

import jax, jax.numpy as jnp
import numpy as np


def _mess3(x=0.15, a=0.6):
    b = (1.0 - a) / 2.0
    y = 1.0 - 2.0 * x
    ay, ax = a * y, a * x
    by, bx = b * y, b * x
    return np.array([
        [[ay, bx, bx], [ax, by, bx], [ax, bx, by]],
        [[by, ax, bx], [bx, ay, bx], [bx, ax, by]],
        [[by, bx, ax], [bx, by, ax], [bx, bx, ay]],
    ], dtype=np.float64)


def _stationary_state(T):
    # left-eigenvector of the state transition matrix with eigenvalue 1
    w, v = np.linalg.eig(T)
    i = int(np.argmin(np.abs(w - 1.0)))
    p = np.real(v[:, i])
    p = p / p.sum()
    return p


def setup_inputs() -> dict:
    num_processes = 64
    dists = []
    for _ in range(num_processes):
        tm = _mess3(0.15, 0.6)            # [emissions, states, states]
        state_T = tm.sum(axis=0)          # [states, states]
        dists.append(_stationary_state(state_T.T))
    state_size = sum(d.shape[0] for d in dists)
    states = np.zeros((num_processes, state_size), dtype=np.float32)
    off = 0
    for i, d in enumerate(dists):
        states[i, off:off + d.shape[0]] = d.astype(np.float32)
        off += d.shape[0]
    weights = np.ones((num_processes,), dtype=np.float32)
    probabilities = weights / weights.sum()
    key = jax.random.PRNGKey(0)
    return {
        "states": jnp.asarray(states),
        "probabilities": jnp.asarray(probabilities),
        "key": key,
    }


def reference(states, probabilities, key):
    # NonergodicStateSampler.sample: weighted categorical over process rows + row gather
    return jax.random.choice(key, states, p=probabilities)

if __name__ == "__main__":
    import jax
    _d = setup_inputs()
    print(jax.jit(kernel)(*tuple(_d.values())))

</pallas_src>

<mosaic_0001>
#map = affine_map<(d0, d1) -> (0, 0)>
#map1 = affine_map<(d0, d1) -> (0)>
module attributes {stable_mosaic.version = 14 : i64} {
  func.func @_sample(%arg0: i32, %arg1: i32, %arg2: memref<64x192xf32, #tpu.memory_space<hbm>>, %arg3: memref<64xf32, #tpu.memory_space<hbm>>, %arg4: memref<2xi32, #tpu.memory_space<hbm>>, %arg5: memref<192xf32, #tpu.memory_space<hbm>>, %arg6: memref<16xi32, #tpu.memory_space<vmem>>, %arg7: memref<64xf32, #tpu.memory_space<vmem>>, %arg8: memref<64x192xf32, #tpu.memory_space<vmem>>, %arg9: memref<!tpu.dma_semaphore, #tpu.memory_space<semaphore_mem>>, %arg10: memref<!tpu.dma_semaphore, #tpu.memory_space<semaphore_mem>>, %arg11: memref<!tpu.dma_semaphore, #tpu.memory_space<semaphore_mem>>) attributes {dimension_semantics = [#tpu.dimension_semantics<core_parallel>, #tpu.dimension_semantics<subcore_parallel>], iteration_bounds = array<i64: 1, 16>, scalar_prefetch = 0 : i64, scratch_operands = 6 : i64, tpu.core_type = #tpu.core_type<sc_vector_subcore>, window_params = [{transform_indices = #map}, {transform_indices = #map1}, {transform_indices = #map1}, {transform_indices = #map1}]} {
    %eq3A = arith.constant 0 : i32
    %eq3A_0 = arith.cmpi eq, %arg1, %eq3A : i32
    %convert_element_type3A = arith.extui %eq3A_0 : i1 to i32
    %cond3A = arith.constant 0 : i32
    %cond3A_1 = arith.cmpi ne, %convert_element_type3A, %cond3A : i32
    scf.if %cond3A_1 {
      %dma_start3A = arith.constant 0 : i32
      %dma_start3A_2 = tpu.memref_slice %arg6[%dma_start3A] : memref<16xi32, #tpu.memory_space<vmem>> -> memref<2xi32, #tpu.memory_space<vmem>>
      %dma_start3A_3 = arith.constant 0 : i32
      %dma_start3A_4 = tpu.memref_slice %arg6[%dma_start3A_3] : memref<16xi32, #tpu.memory_space<vmem>> -> memref<2xi32, #tpu.memory_space<vmem>>
      tpu.enqueue_dma source(%arg4 : memref<2xi32, #tpu.memory_space<hbm>>) target(%dma_start3A_4 : memref<2xi32, #tpu.memory_space<vmem>>) target_semaphore(%arg9 : memref<!tpu.dma_semaphore, #tpu.memory_space<semaphore_mem>>)
      tpu.enqueue_dma source(%arg3 : memref<64xf32, #tpu.memory_space<hbm>>) target(%arg7 : memref<64xf32, #tpu.memory_space<vmem>>) target_semaphore(%arg10 : memref<!tpu.dma_semaphore, #tpu.memory_space<semaphore_mem>>)
      tpu.enqueue_dma source(%arg2 : memref<64x192xf32, #tpu.memory_space<hbm>>) target(%arg8 : memref<64x192xf32, #tpu.memory_space<vmem>>) target_semaphore(%arg11 : memref<!tpu.dma_semaphore, #tpu.memory_space<semaphore_mem>>)
      %dma_wait3A = arith.constant 0 : i32
      %dma_wait3A_5 = tpu.memref_slice %arg6[%dma_wait3A] : memref<16xi32, #tpu.memory_space<vmem>> -> memref<2xi32, #tpu.memory_space<vmem>>
      %dma_wait3A_6 = arith.constant 0 : i32
      %dma_wait3A_7 = tpu.memref_slice %arg6[%dma_wait3A_6] : memref<16xi32, #tpu.memory_space<vmem>> -> memref<2xi32, #tpu.memory_space<vmem>>
      tpu.wait_dma2 semaphore(%arg9 : memref<!tpu.dma_semaphore, #tpu.memory_space<semaphore_mem>>) src(%arg4 : memref<2xi32, #tpu.memory_space<hbm>>) dst(%dma_wait3A_7 : memref<2xi32, #tpu.memory_space<vmem>>)
      %get3A = arith.constant 0 : index
      %get3A_8 = tpu.vector_load %arg6[%get3A] {strides = array<i32>} : memref<16xi32, #tpu.memory_space<vmem>>, vector<16xi32>,
      %slice3A = vector.extract_strided_slice %get3A_8 {offsets = [0], sizes = [1], strides = [1]} : vector<16xi32> to vector<1xi32>
      %squeeze3A = vector.extract %slice3A[0] : i32 from vector<1xi32>
      %slice3A_9 = vector.extract_strided_slice %get3A_8 {offsets = [1], sizes = [1], strides = [1]} : vector<16xi32> to vector<1xi32>
      %squeeze3A_10 = vector.extract %slice3A_9[0] : i32 from vector<1xi32>
      %xor3A = arith.xori %squeeze3A, %squeeze3A_10 : i32
      %xor3A_11 = arith.constant 466688986 : i32
      %xor3A_12 = arith.xori %xor3A, %xor3A_11 : i32
      %add3A = arith.addi %squeeze3A, %squeeze3A_10 : i32
      %shift_left3A = arith.constant 13 : i32
      %shift_left3A_13 = arith.shli %squeeze3A_10, %shift_left3A : i32
      %shift_right_logical3A = arith.constant 19 : i32
      %shift_right_logical3A_14 = arith.shrui %squeeze3A_10, %shift_right_logical3A : i32
      %or3A = arith.ori %shift_left3A_13, %shift_right_logical3A_14 : i32
      %xor3A_15 = arith.xori %or3A, %add3A : i32
      %add3A_16 = arith.addi %add3A, %xor3A_15 : i32
      %shift_left3A_17 = arith.constant 15 : i32
      %shift_left3A_18 = arith.shli %xor3A_15, %shift_left3A_17 : i32
      %shift_right_logical3A_19 = arith.constant 17 : i32
      %shift_right_logical3A_20 = arith.shrui %xor3A_15, %shift_right_logical3A_19 : i32
      %or3A_21 = arith.ori %shift_left3A_18, %shift_right_logical3A_20 : i32
      %xor3A_22 = arith.xori %or3A_21, %add3A_16 : i32
      %add3A_23 = arith.addi %add3A_16, %xor3A_22 : i32
      %shift_left3A_24 = arith.constant 26 : i32
      %shift_left3A_25 = arith.shli %xor3A_22, %shift_left3A_24 : i32
      %shift_right_logical3A_26 = arith.constant 6 : i32
      %shift_right_logical3A_27 = arith.shrui %xor3A_22, %shift_right_logical3A_26 : i32
      %or3A_28 = arith.ori %shift_left3A_25, %shift_right_logical3A_27 : i32
      %xor3A_29 = arith.xori %or3A_28, %add3A_23 : i32
      %add3A_30 = arith.addi %add3A_23, %xor3A_29 : i32
      %shift_left3A_31 = arith.constant 6 : i32
      %shift_left3A_32 = arith.shli %xor3A_29, %shift_left3A_31 : i32
      %shift_right_logical3A_33 = arith.constant 26 : i32
      %shift_right_logical3A_34 = arith.shrui %xor3A_29, %shift_right_logical3A_33 : i32
      %or3A_35 = arith.ori %shift_left3A_32, %shift_right_logical3A_34 : i32
      %xor3A_36 = arith.xori %or3A_35, %add3A_30 : i32
      %add3A_37 = arith.addi %add3A_30, %squeeze3A_10 : i32
      %add3A_38 = arith.addi %xor3A_36, %xor3A_12 : i32
      %add3A_39 = arith.constant 1 : i32
      %add3A_40 = arith.addi %add3A_38, %add3A_39 : i32
      %add3A_41 = arith.addi %add3A_37, %add3A_40 : i32
      %shift_left3A_42 = arith.constant 17 : i32
      %shift_left3A_43 = arith.shli %add3A_40, %shift_left3A_42 : i32
      %shift_right_logical3A_44 = arith.constant 15 : i32
      %shift_right_logical3A_45 = arith.shrui %add3A_40, %shift_right_logical3A_44 : i32
      %or3A_46 = arith.ori %shift_left3A_43, %shift_right_logical3A_45 : i32
      %xor3A_47 = arith.xori %or3A_46, %add3A_41 : i32
      %add3A_48 = arith.addi %add3A_41, %xor3A_47 : i32
      %shift_left3A_49 = arith.constant 29 : i32
      %shift_left3A_50 = arith.shli %xor3A_47, %shift_left3A_49 : i32
      %shift_right_logical3A_51 = arith.constant 3 : i32
      %shift_right_logical3A_52 = arith.shrui %xor3A_47, %shift_right_logical3A_51 : i32
      %or3A_53 = arith.ori %shift_left3A_50, %shift_right_logical3A_52 : i32
      %xor3A_54 = arith.xori %or3A_53, %add3A_48 : i32
      %add3A_55 = arith.addi %add3A_48, %xor3A_54 : i32
      %shift_left3A_56 = arith.constant 16 : i32
      %shift_left3A_57 = arith.shli %xor3A_54, %shift_left3A_56 : i32
      %shift_right_logical3A_58 = arith.constant 16 : i32
      %shift_right_logical3A_59 = arith.shrui %xor3A_54, %shift_right_logical3A_58 : i32
      %or3A_60 = arith.ori %shift_left3A_57, %shift_right_logical3A_59 : i32
      %xor3A_61 = arith.xori %or3A_60, %add3A_55 : i32
      %add3A_62 = arith.addi %add3A_55, %xor3A_61 : i32
      %shift_left3A_63 = arith.constant 24 : i32
      %shift_left3A_64 = arith.shli %xor3A_61, %shift_left3A_63 : i32
      %shift_right_logical3A_65 = arith.constant 8 : i32
      %shift_right_logical3A_66 = arith.shrui %xor3A_61, %shift_right_logical3A_65 : i32
      %or3A_67 = arith.ori %shift_left3A_64, %shift_right_logical3A_66 : i32
      %xor3A_68 = arith.xori %or3A_67, %add3A_62 : i32
      %add3A_69 = arith.addi %add3A_62, %xor3A_12 : i32
      %add3A_70 = arith.addi %xor3A_68, %squeeze3A : i32
      %add3A_71 = arith.constant 2 : i32
      %add3A_72 = arith.addi %add3A_70, %add3A_71 : i32
      %add3A_73 = arith.addi %add3A_69, %add3A_72 : i32
      %shift_left3A_74 = arith.constant 13 : i32
      %shift_left3A_75 = arith.shli %add3A_72, %shift_left3A_74 : i32
      %shift_right_logical3A_76 = arith.constant 19 : i32
      %shift_right_logical3A_77 = arith.shrui %add3A_72, %shift_right_logical3A_76 : i32
      %or3A_78 = arith.ori %shift_left3A_75, %shift_right_logical3A_77 : i32
      %xor3A_79 = arith.xori %or3A_78, %add3A_73 : i32
      %add3A_80 = arith.addi %add3A_73, %xor3A_79 : i32
      %shift_left3A_81 = arith.constant 15 : i32
      %shift_left3A_82 = arith.shli %xor3A_79, %shift_left3A_81 : i32
      %shift_right_logical3A_83 = arith.constant 17 : i32
      %shift_right_logical3A_84 = arith.shrui %xor3A_79, %shift_right_logical3A_83 : i32
      %or3A_85 = arith.ori %shift_left3A_82, %shift_right_logical3A_84 : i32
      %xor3A_86 = arith.xori %or3A_85, %add3A_80 : i32
      %add3A_87 = arith.addi %add3A_80, %xor3A_86 : i32
      %shift_left3A_88 = arith.constant 26 : i32
      %shift_left3A_89 = arith.shli %xor3A_86, %shift_left3A_88 : i32
      %shift_right_logical3A_90 = arith.constant 6 : i32
      %shift_right_logical3A_91 = arith.shrui %xor3A_86, %shift_right_logical3A_90 : i32
      %or3A_92 = arith.ori %shift_left3A_89, %shift_right_logical3A_91 : i32
      %xor3A_93 = arith.xori %or3A_92, %add3A_87 : i32
      %add3A_94 = arith.addi %add3A_87, %xor3A_93 : i32
      %shift_left3A_95 = arith.constant 6 : i32
      %shift_left3A_96 = arith.shli %xor3A_93, %shift_left3A_95 : i32
      %shift_right_logical3A_97 = arith.constant 26 : i32
      %shift_right_logical3A_98 = arith.shrui %xor3A_93, %shift_right_logical3A_97 : i32
      %or3A_99 = arith.ori %shift_left3A_96, %shift_right_logical3A_98 : i32
      %xor3A_100 = arith.xori %or3A_99, %add3A_94 : i32
      %add3A_101 = arith.addi %add3A_94, %squeeze3A : i32
      %add3A_102 = arith.addi %xor3A_100, %squeeze3A_10 : i32
      %add3A_103 = arith.constant 3 : i32
      %add3A_104 = arith.addi %add3A_102, %add3A_103 : i32
      %add3A_105 = arith.addi %add3A_101, %add3A_104 : i32
      %shift_left3A_106 = arith.constant 17 : i32
      %shift_left3A_107 = arith.shli %add3A_104, %shift_left3A_106 : i32
      %shift_right_logical3A_108 = arith.constant 15 : i32
      %shift_right_logical3A_109 = arith.shrui %add3A_104, %shift_right_logical3A_108 : i32
      %or3A_110 = arith.ori %shift_left3A_107, %shift_right_logical3A_109 : i32
      %xor3A_111 = arith.xori %or3A_110, %add3A_105 : i32
      %add3A_112 = arith.addi %add3A_105, %xor3A_111 : i32
      %shift_left3A_113 = arith.constant 29 : i32
      %shift_left3A_114 = arith.shli %xor3A_111, %shift_left3A_113 : i32
      %shift_right_logical3A_115 = arith.constant 3 : i32
      %shift_right_logical3A_116 = arith.shrui %xor3A_111, %shift_right_logical3A_115 : i32
      %or3A_117 = arith.ori %shift_left3A_114, %shift_right_logical3A_116 : i32
      %xor3A_118 = arith.xori %or3A_117, %add3A_112 : i32
      %add3A_119 = arith.addi %add3A_112, %xor3A_118 : i32
      %shift_left3A_120 = arith.constant 16 : i32
      %shift_left3A_121 = arith.shli %xor3A_118, %shift_left3A_120 : i32
      %shift_right_logical3A_122 = arith.constant 16 : i32
      %shift_right_logical3A_123 = arith.shrui %xor3A_118, %shift_right_logical3A_122 : i32
      %or3A_124 = arith.ori %shift_left3A_121, %shift_right_logical3A_123 : i32
      %xor3A_125 = arith.xori %or3A_124, %add3A_119 : i32
      %add3A_126 = arith.addi %add3A_119, %xor3A_125 : i32
      %shift_left3A_127 = arith.constant 24 : i32
      %shift_left3A_128 = arith.shli %xor3A_125, %shift_left3A_127 : i32
      %shift_right_logical3A_129 = arith.constant 8 : i32
      %shift_right_logical3A_130 = arith.shrui %xor3A_125, %shift_right_logical3A_129 : i32
      %or3A_131 = arith.ori %shift_left3A_128, %shift_right_logical3A_130 : i32
      %xor3A_132 = arith.xori %or3A_131, %add3A_126 : i32
      %add3A_133 = arith.addi %add3A_126, %squeeze3A_10 : i32
      %add3A_134 = arith.addi %xor3A_132, %xor3A_12 : i32
      %add3A_135 = arith.constant 4 : i32
      %add3A_136 = arith.addi %add3A_134, %add3A_135 : i32
      %add3A_137 = arith.addi %add3A_133, %add3A_136 : i32
      %shift_left3A_138 = arith.constant 13 : i32
      %shift_left3A_139 = arith.shli %add3A_136, %shift_left3A_138 : i32
      %shift_right_logical3A_140 = arith.constant 19 : i32
      %shift_right_logical3A_141 = arith.shrui %add3A_136, %shift_right_logical3A_140 : i32
      %or3A_142 = arith.ori %shift_left3A_139, %shift_right_logical3A_141 : i32
      %xor3A_143 = arith.xori %or3A_142, %add3A_137 : i32
      %add3A_144 = arith.addi %add3A_137, %xor3A_143 : i32
      %shift_left3A_145 = arith.constant 15 : i32
      %shift_left3A_146 = arith.shli %xor3A_143, %shift_left3A_145 : i32
      %shift_right_logical3A_147 = arith.constant 17 : i32
      %shift_right_logical3A_148 = arith.shrui %xor3A_143, %shift_right_logical3A_147 : i32
      %or3A_149 = arith.ori %shift_left3A_146, %shift_right_logical3A_148 : i32
      %xor3A_150 = arith.xori %or3A_149, %add3A_144 : i32
      %add3A_151 = arith.addi %add3A_144, %xor3A_150 : i32
      %shift_left3A_152 = arith.constant 26 : i32
      %shift_left3A_153 = arith.shli %xor3A_150, %shift_left3A_152 : i32
      %shift_right_logical3A_154 = arith.constant 6 : i32
      %shift_right_logical3A_155 = arith.shrui %xor3A_150, %shift_right_logical3A_154 : i32
      %or3A_156 = arith.ori %shift_left3A_153, %shift_right_logical3A_155 : i32
      %xor3A_157 = arith.xori %or3A_156, %add3A_151 : i32
      %add3A_158 = arith.addi %add3A_151, %xor3A_157 : i32
      %shift_left3A_159 = arith.constant 6 : i32
      %shift_left3A_160 = arith.shli %xor3A_157, %shift_left3A_159 : i32
      %shift_right_logical3A_161 = arith.constant 26 : i32
      %shift_right_logical3A_162 = arith.shrui %xor3A_157, %shift_right_logical3A_161 : i32
      %or3A_163 = arith.ori %shift_left3A_160, %shift_right_logical3A_162 : i32
      %xor3A_164 = arith.xori %or3A_163, %add3A_158 : i32
      %add3A_165 = arith.addi %add3A_158, %xor3A_12 : i32
      %add3A_166 = arith.addi %xor3A_164, %squeeze3A : i32
      %add3A_167 = arith.constant 5 : i32
      %add3A_168 = arith.addi %add3A_166, %add3A_167 : i32
      %xor3A_169 = arith.xori %add3A_165, %add3A_168 : i32
      %shift_right_logical3A_170 = arith.constant 9 : i32
      %shift_right_logical3A_171 = arith.shrui %xor3A_169, %shift_right_logical3A_170 : i32
      %or3A_172 = arith.constant 1065353216 : i32
      %or3A_173 = arith.ori %shift_right_logical3A_171, %or3A_172 : i32
      %bitcast_convert_type3A = arith.bitcast %or3A_173 : i32 to f32
      %sub3A = arith.constant 1.000000e+00 : f32
      %sub3A_174 = arith.subf %bitcast_convert_type3A, %sub3A : f32
      %sub3A_175 = arith.constant 1.000000e+00 : f32
      %sub3A_176 = arith.subf %sub3A_175, %sub3A_174 : f32
      tpu.wait_dma2 semaphore(%arg10 : memref<!tpu.dma_semaphore, #tpu.memory_space<semaphore_mem>>) src(%arg3 : memref<64xf32, #tpu.memory_space<hbm>>) dst(%arg7 : memref<64xf32, #tpu.memory_space<vmem>>)
      %get3A_177 = arith.constant 0 : index
      %get3A_178 = tpu.vector_load %arg7[%get3A_177] {strides = array<i32>} : memref<64xf32, #tpu.memory_space<vmem>>, vector<16xf32>,
      %broadcast_in_dim3A = arith.constant true
      %broadcast_in_dim3A_179 = vector.broadcast %broadcast_in_dim3A : i1 to vector<16xi1>
      %masked_cumsum3A = tpu.scan <sum>, %get3A_178 masked %broadcast_in_dim3A_179 : vector<16xf32>, vector<16xi1> -> vector<16xf32>
      %add3A_180 = arith.constant 0.000000e+00 : f32
      %add3A_181 = vector.broadcast %add3A_180 : f32 to vector<16xf32>
      %add3A_182 = arith.addf %masked_cumsum3A, %add3A_181 : vector<16xf32>
      %reduce_sum3A = arith.constant true
      %reduce_sum3A_183 = vector.broadcast %reduce_sum3A : i1 to vector<16xi1>
      %reduce_sum3A_184 = tpu.scan <sum>, %get3A_178 masked %reduce_sum3A_183 : vector<16xf32>, vector<16xi1> -> vector<16xf32>
      %reduce_sum3A_185 = vector.extract %reduce_sum3A_184[15] : f32 from vector<16xf32>
      %add3A_186 = arith.constant 0.000000e+00 : f32
      %add3A_187 = arith.addf %add3A_186, %reduce_sum3A_185 : f32
      %get3A_188 = arith.constant 16 : index
      %get3A_189 = tpu.vector_load %arg7[%get3A_188] {strides = array<i32>} : memref<64xf32, #tpu.memory_space<vmem>>, vector<16xf32>,
      %broadcast_in_dim3A_190 = arith.constant true
      %broadcast_in_dim3A_191 = vector.broadcast %broadcast_in_dim3A_190 : i1 to vector<16xi1>
      %masked_cumsum3A_192 = tpu.scan <sum>, %get3A_189 masked %broadcast_in_dim3A_191 : vector<16xf32>, vector<16xi1> -> vector<16xf32>
      %add3A_193 = vector.broadcast %add3A_187 : f32 to vector<16xf32>
      %add3A_194 = arith.addf %masked_cumsum3A_192, %add3A_193 : vector<16xf32>
      %reduce_sum3A_195 = arith.constant true
      %reduce_sum3A_196 = vector.broadcast %reduce_sum3A_195 : i1 to vector<16xi1>
      %reduce_sum3A_197 = tpu.scan <sum>, %get3A_189 masked %reduce_sum3A_196 : vector<16xf32>, vector<16xi1> -> vector<16xf32>
      %reduce_sum3A_198 = vector.extract %reduce_sum3A_197[15] : f32 from vector<16xf32>
      %add3A_199 = arith.addf %add3A_187, %reduce_sum3A_198 : f32
      %get3A_200 = arith.constant 32 : index
      %get3A_201 = tpu.vector_load %arg7[%get3A_200] {strides = array<i32>} : memref<64xf32, #tpu.memory_space<vmem>>, vector<16xf32>,
      %broadcast_in_dim3A_202 = arith.constant true
      %broadcast_in_dim3A_203 = vector.broadcast %broadcast_in_dim3A_202 : i1 to vector<16xi1>
      %masked_cumsum3A_204 = tpu.scan <sum>, %get3A_201 masked %broadcast_in_dim3A_203 : vector<16xf32>, vector<16xi1> -> vector<16xf32>
      %add3A_205 = vector.broadcast %add3A_199 : f32 to vector<16xf32>
      %add3A_206 = arith.addf %masked_cumsum3A_204, %add3A_205 : vector<16xf32>
      %reduce_sum3A_207 = arith.constant true
      %reduce_sum3A_208 = vector.broadcast %reduce_sum3A_207 : i1 to vector<16xi1>
      %reduce_sum3A_209 = tpu.scan <sum>, %get3A_201 masked %reduce_sum3A_208 : vector<16xf32>, vector<16xi1> -> vector<16xf32>
      %reduce_sum3A_210 = vector.extract %reduce_sum3A_209[15] : f32 from vector<16xf32>
      %add3A_211 = arith.addf %add3A_199, %reduce_sum3A_210 : f32
      %get3A_212 = arith.constant 48 : index
      %get3A_213 = tpu.vector_load %arg7[%get3A_212] {strides = array<i32>} : memref<64xf32, #tpu.memory_space<vmem>>, vector<16xf32>,
      %broadcast_in_dim3A_214 = arith.constant true
      %broadcast_in_dim3A_215 = vector.broadcast %broadcast_in_dim3A_214 : i1 to vector<16xi1>
      %masked_cumsum3A_216 = tpu.scan <sum>, %get3A_213 masked %broadcast_in_dim3A_215 : vector<16xf32>, vector<16xi1> -> vector<16xf32>
      %add3A_217 = vector.broadcast %add3A_211 : f32 to vector<16xf32>
      %add3A_218 = arith.addf %masked_cumsum3A_216, %add3A_217 : vector<16xf32>
      %reduce_sum3A_219 = arith.constant true
      %reduce_sum3A_220 = vector.broadcast %reduce_sum3A_219 : i1 to vector<16xi1>
      %reduce_sum3A_221 = tpu.scan <sum>, %get3A_213 masked %reduce_sum3A_220 : vector<16xf32>, vector<16xi1> -> vector<16xf32>
      %reduce_sum3A_222 = vector.extract %reduce_sum3A_221[15] : f32 from vector<16xf32>
      %add3A_223 = arith.addf %add3A_211, %reduce_sum3A_222 : f32
      %mul3A = arith.mulf %add3A_223, %sub3A_176 : f32
      %lt3A = vector.broadcast %mul3A : f32 to vector<16xf32>
      %lt3A_224 = arith.cmpf olt, %add3A_182, %lt3A : vector<16xf32>
      %convert_element_type3A_225 = arith.extui %lt3A_224 : vector<16xi1> to vector<16xi32>
      %reduce_sum3A_226 = arith.constant true
      %reduce_sum3A_227 = vector.broadcast %reduce_sum3A_226 : i1 to vector<16xi1>
      %reduce_sum3A_228 = tpu.scan <sum>, %convert_element_type3A_225 masked %reduce_sum3A_227 : vector<16xi32>, vector<16xi1> -> vector<16xi32>
      %reduce_sum3A_229 = vector.extract %reduce_sum3A_228[15] : i32 from vector<16xi32>
      %add3A_230 = arith.constant 0 : i32
      %add3A_231 = arith.addi %add3A_230, %reduce_sum3A_229 : i32
      %lt3A_232 = vector.broadcast %mul3A : f32 to vector<16xf32>
      %lt3A_233 = arith.cmpf olt, %add3A_194, %lt3A_232 : vector<16xf32>
      %convert_element_type3A_234 = arith.extui %lt3A_233 : vector<16xi1> to vector<16xi32>
      %reduce_sum3A_235 = arith.constant true
      %reduce_sum3A_236 = vector.broadcast %reduce_sum3A_235 : i1 to vector<16xi1>
      %reduce_sum3A_237 = tpu.scan <sum>, %convert_element_type3A_234 masked %reduce_sum3A_236 : vector<16xi32>, vector<16xi1> -> vector<16xi32>
      %reduce_sum3A_238 = vector.extract %reduce_sum3A_237[15] : i32 from vector<16xi32>
      %add3A_239 = arith.addi %add3A_231, %reduce_sum3A_238 : i32
      %lt3A_240 = vector.broadcast %mul3A : f32 to vector<16xf32>
      %lt3A_241 = arith.cmpf olt, %add3A_206, %lt3A_240 : vector<16xf32>
      %convert_element_type3A_242 = arith.extui %lt3A_241 : vector<16xi1> to vector<16xi32>
      %reduce_sum3A_243 = arith.constant true
      %reduce_sum3A_244 = vector.broadcast %reduce_sum3A_243 : i1 to vector<16xi1>
      %reduce_sum3A_245 = tpu.scan <sum>, %convert_element_type3A_242 masked %reduce_sum3A_244 : vector<16xi32>, vector<16xi1> -> vector<16xi32>
      %reduce_sum3A_246 = vector.extract %reduce_sum3A_245[15] : i32 from vector<16xi32>
      %add3A_247 = arith.addi %add3A_239, %reduce_sum3A_246 : i32
      %lt3A_248 = vector.broadcast %mul3A : f32 to vector<16xf32>
      %lt3A_249 = arith.cmpf olt, %add3A_218, %lt3A_248 : vector<16xf32>
      %convert_element_type3A_250 = arith.extui %lt3A_249 : vector<16xi1> to vector<16xi32>
      %reduce_sum3A_251 = arith.constant true
      %reduce_sum3A_252 = vector.broadcast %reduce_sum3A_251 : i1 to vector<16xi1>
      %reduce_sum3A_253 = tpu.scan <sum>, %convert_element_type3A_250 masked %reduce_sum3A_252 : vector<16xi32>, vector<16xi1> -> vector<16xi32>
      %reduce_sum3A_254 = vector.extract %reduce_sum3A_253[15] : i32 from vector<16xi32>
      %add3A_255 = arith.addi %add3A_247, %reduce_sum3A_254 : i32
      tpu.wait_dma2 semaphore(%arg11 : memref<!tpu.dma_semaphore, #tpu.memory_space<semaphore_mem>>) src(%arg2 : memref<64x192xf32, #tpu.memory_space<hbm>>) dst(%arg8 : memref<64x192xf32, #tpu.memory_space<vmem>>)
      "tpu.region"() ({
        %run_scoped3A = tpu.sem_alloc : memref<!tpu.dma_semaphore, #tpu.memory_space<semaphore_mem>>
        %dma_start3A_256 = arith.constant 0 : i32
        %dma_start3A_257 = tpu.memref_slice %arg8[%add3A_255, %dma_start3A_256] : memref<64x192xf32, #tpu.memory_space<vmem>> -> memref<1x192xf32, #tpu.memory_space<vmem>>
        %dma_start3A_258 = tpu.memref_squeeze %dma_start3A_257 : memref<1x192xf32, #tpu.memory_space<vmem>> -> memref<192xf32, #tpu.memory_space<vmem>>
        %dma_start3A_259 = arith.constant 0 : i32
        %dma_start3A_260 = tpu.memref_slice %arg8[%add3A_255, %dma_start3A_259] : memref<64x192xf32, #tpu.memory_space<vmem>> -> memref<1x192xf32, #tpu.memory_space<vmem>>
        %dma_start3A_261 = tpu.memref_squeeze %dma_start3A_260 : memref<1x192xf32, #tpu.memory_space<vmem>> -> memref<192xf32, #tpu.memory_space<vmem>>
        tpu.enqueue_dma source(%dma_start3A_261 : memref<192xf32, #tpu.memory_space<vmem>>) target(%arg5 : memref<192xf32, #tpu.memory_space<hbm>>) target_semaphore(%run_scoped3A : memref<!tpu.dma_semaphore, #tpu.memory_space<semaphore_mem>>)
        %dma_wait3A_262 = arith.constant 0 : i32
        %dma_wait3A_263 = tpu.memref_slice %arg8[%add3A_255, %dma_wait3A_262] : memref<64x192xf32, #tpu.memory_space<vmem>> -> memref<1x192xf32, #tpu.memory_space<vmem>>
        %dma_wait3A_264 = tpu.memref_squeeze %dma_wait3A_263 : memref<1x192xf32, #tpu.memory_space<vmem>> -> memref<192xf32, #tpu.memory_space<vmem>>
        %dma_wait3A_265 = arith.constant 0 : i32
        %dma_wait3A_266 = tpu.memref_slice %arg8[%add3A_255, %dma_wait3A_265] : memref<64x192xf32, #tpu.memory_space<vmem>> -> memref<1x192xf32, #tpu.memory_space<vmem>>
        %dma_wait3A_267 = tpu.memref_squeeze %dma_wait3A_266 : memref<1x192xf32, #tpu.memory_space<vmem>> -> memref<192xf32, #tpu.memory_space<vmem>>
        tpu.wait_dma2 semaphore(%run_scoped3A : memref<!tpu.dma_semaphore, #tpu.memory_space<semaphore_mem>>) src(%dma_wait3A_267 : memref<192xf32, #tpu.memory_space<vmem>>) dst(%arg5 : memref<192xf32, #tpu.memory_space<hbm>>)
        tpu.yield
      }) : () -> ()
    } else {
    }
    return
  }
}

</mosaic_0001>

<sc_bundles>
// kernel: kernel.3.cloned.1.call-start
scs
__scs_entry_jumppad:
0x0: {  	(pc) =	sbr.rel $0x88, $3  }
0x1: {  	(tag) =	ssettag $0x0;
	lr =	simm.s32 $0x1  }
0x2: {  	[smem:$0x3F9E] =	sst lr;
	_ =	strace $0xD0000000  }
0x3: {  	_ = 	snop  }
0x4: {  	_ = 	snop  }
0x5: {  	_ = 	snop  }
0x6: {  	_ = 	snop  }
0x7: {  	_ = 	snop  }
__scs_overlays_trampoline_lowered:
0x8: {  	[smem:$0x3FAD] =	sst s0  }
0x9: {  	[smem:$0x3FAE] =	sst s1  }
0xa: {  	[smem:$0x3FAF] =	sst s2  }
0xb: {  	[smem:$0x3FB0] =	sst s3  }
0xc: {  	[smem:$0x3FB1] =	sst s4  }
0xd: {  	[smem:$0x3FB2] =	sst s5  }
0xe: {  	[smem:$0x3FB3] =	sst s6  }
0xf: {  	[smem:$0x3FB4] =	sst s7  }
0x10: {  	[smem:$0x3FB5] =	sst s8  }
0x11: {  	[smem:$0x3FB6] =	sst s9;
	s0 =	simm.s32 @!p0 $0x0  }
0x12: {  	s1 =	sld [smem:$0x3F9C];
	s0 =	simm.s32 @p0 $0x1  }
0x13: {  	[smem:$0x3FB7] =	sst s0;
	s0 =	simm.s32 @!p1 $0x0  }
0x14: {  	s2 =	sld [smem:$0x3F9B];
	s0 =	simm.s32 @p1 $0x1  }
0x15: {  	[smem:$0x3FB8] =	sst s0;
	s0 =	simm.s32 @!p2 $0x0  }
0x16: {  	s3 =	sld [smem:$0x3FDB];
	s0 =	simm.s32 @p2 $0x1  }
0x17: {  	s4 =	simm.s32 $0x1BF5;
	[smem:$0x3FBA] =	sst s0  }
0x18: {  	s0 =	sld [smem:$0x3F9D];
	_ =	swait.ge [sflag:s4], $0x0  }
0x19: {  	s7 =	sld [smem:$0x3F9E]  }
0x1a: {  	s8 =	sadd.s32 $0xFFFFE003, lr  }
0x1b: {  	s9 =	sadd.s32 $0xFFFFFEF7, lr;
	s5 =	simm.s32 $0xFFFFFFFF;
	p2 =	slt.u32 s8, $0xFFFFF086  }
0x1c: {  	p1 =	slt.u32 s9, $0xF7A;
	s5 =	simm.s32 @!p2 $0x0  }
0x1d: {  	s5 =	simm.s32 @p1 $0x1;
	p0 =	seq.s32 s7, s2  }
0x1e: {  	s7 =	smul.u32 @!p0 $0xF7A, s2;
	p2 =	seq.s32 @!p0 s5, $0x0  }
0x1f: {  	s9 =	smul.u32 $0xF7A, s1;
	s8 =	simm.s32 @!p0 $0x1BF5;
	p2 =	por !p2, p0  }
0x20: {  	[sflag:s8] =	ssyncset.s32 @!p0 $0xFFFFF086;
	s6 =	sadd.s32 @!p0 s3, s7;
	s7 =	simm.s32 @!p0 $0x108  }
0x21: {  	s3 =	sadd.s32 s3, s9;
	s6 =	sadd.s32 @!p0 $0x88, s6;
	s7 =	simm.s32 @p2 $0x1082  }
0x22: {  	[simem:s7], [sflag:s8] =	dma.local @!p0 [hbm:s6], $0xF7A  }
0x23: {  	s9 =	sor.u32 $0xD0000000, s2;
	s6 =	simm.s32 $0x108;
	_ =	swait.ge @!p0 [sflag:s8], $0x0  }
0x24: {  	s3 =	sadd.s32 $0x88, s3;
	s6 =	simm.s32 @!p1 $0x1082;
	[sflag:s4] =	ssyncset.s32 $0xFFFFF086  }
0x25: {  	[simem:s6], [sflag:s4] =	dma.local [hbm:s3], $0xF7A  }
0x26: {  	[smem:$0x3F9E] =	sst s1;
	(tag) =	ssettag s2;
	_ =	strace s9  }
0x27: {  	s1 =	sld [smem:$0x3FAE]  }
0x28: {  	s2 =	sld [smem:$0x3FAF]  }
0x29: {  	s4 =	sld [smem:$0x3FB1]  }
0x2a: {  	p0 =	seq.s32 s5, $0x0;
	s5 =	sld [smem:$0x3FB2]  }
0x2b: {  	s6 =	sld [smem:$0x3FB3]  }
0x2c: {  	s7 =	sld [smem:$0x3FB4]  }
0x2d: {  	s3 =	simm.s32 $0x108;
	s8 =	sld [smem:$0x3FB5]  }
0x2e: {  	s3 =	simm.s32 @!p0 $0x1082;
	s9 =	sld [smem:$0x3FB6]  }
0x2f: {  	lr =	sadd.s32 s0, s3;
	s0 =	sld [smem:$0x3FAD]  }
0x30: {  	s3 =	sld [smem:$0x3FB0]  }
0x31: {  	[smem:$0x3FB9] =	sst s10  }
0x32: {  	s10 =	sld [smem:$0x3FB7];
	_ =	sdelay $0x3  }
0x33: {  	p0 =	seq.s32 s10, $0x1;
	s10 =	sld [smem:$0x3FB9];
	_ =	sdelay $0x3  }
0x34: {  	[smem:$0x3FB9] =	sst s10  }
0x35: {  	s10 =	sld [smem:$0x3FB8];
	_ =	sdelay $0x3  }
0x36: {  	p1 =	seq.s32 s10, $0x1;
	s10 =	sld [smem:$0x3FB9];
	_ =	sdelay $0x3  }
0x37: {  	[smem:$0x3FB9] =	sst s10  }
0x38: {  	s10 =	sld [smem:$0x3FBA]  }
0x39: {  	_ = 	snop;
	(pc) =	sbr.ind lr, $3  }
0x3a: {  	_ = 	snop  }
0x3b: {  	_ = 	snop  }
0x3c: {  	p2 =	seq.s32 s10, $0x1;
	s10 =	sld [smem:$0x3FB9]  }
0x3d: {  	_ =	shalt  }
0x3e: {  	_ =	shalt  }
0x3f: {  	_ =	shalt  }
0x40: {  	_ =	shalt  }
0x41: {  	_ =	shalt  }
0x42: {  	_ =	shalt  }
0x43: {  	_ =	shalt  }
0x44: {  	_ =	shalt  }
0x45: {  	_ =	shalt  }
0x46: {  	_ =	shalt  }
0x47: {  	_ =	shalt  }
0x48: {  	_ =	shalt  }
0x49: {  	_ =	shalt  }
0x4a: {  	_ =	shalt  }
0x4b: {  	_ =	shalt  }
0x4c: {  	_ =	shalt  }
0x4d: {  	_ =	shalt  }
0x4e: {  	_ =	shalt  }
0x4f: {  	_ =	shalt  }
0x50: {  	_ =	shalt  }
0x51: {  	_ =	shalt  }
0x52: {  	_ =	shalt  }
0x53: {  	_ =	shalt  }
0x54: {  	_ =	shalt  }
0x55: {  	_ =	shalt  }
0x56: {  	_ =	shalt  }
0x57: {  	_ =	shalt  }
0x58: {  	_ =	shalt  }
0x59: {  	_ =	shalt  }
0x5a: {  	_ =	shalt  }
0x5b: {  	_ =	shalt  }
0x5c: {  	_ =	shalt  }
0x5d: {  	_ =	shalt  }
0x5e: {  	_ =	shalt  }
0x5f: {  	_ =	shalt  }
0x60: {  	_ =	shalt  }
0x61: {  	_ =	shalt  }
0x62: {  	_ =	shalt  }
0x63: {  	_ =	shalt  }
0x64: {  	_ =	shalt  }
0x65: {  	_ =	shalt  }
0x66: {  	_ =	shalt  }
0x67: {  	_ =	shalt  }
0x68: {  	_ =	shalt  }
0x69: {  	_ =	shalt  }
0x6a: {  	_ =	shalt  }
0x6b: {  	_ =	shalt  }
0x6c: {  	_ =	shalt  }
0x6d: {  	_ =	shalt  }
0x6e: {  	_ =	shalt  }
0x6f: {  	_ =	shalt  }
0x70: {  	_ =	shalt  }
0x71: {  	_ =	shalt  }
0x72: {  	_ =	shalt  }
0x73: {  	_ =	shalt  }
0x74: {  	_ =	shalt  }
0x75: {  	_ =	shalt  }
0x76: {  	_ =	shalt  }
0x77: {  	_ =	shalt  }
0x78: {  	_ =	shalt  }
0x79: {  	_ =	shalt  }
0x7a: {  	_ =	shalt  }
0x7b: {  	_ =	shalt  }
0x7c: {  	_ =	shalt  }
0x7d: {  	_ =	shalt  }
0x7e: {  	_ =	shalt  }
0x7f: {  	_ =	shalt  }
0x80: {  	_ =	shalt  }
0x81: {  	_ =	shalt  }
0x82: {  	_ =	shalt  }
0x83: {  	_ =	shalt  }
0x84: {  	_ =	shalt  }
0x85: {  	_ =	shalt  }
0x86: {  	_ =	shalt  }
0x87: {  	_ =	shalt  }
.Lfunc_end0:
.L_simem_size_0:
called_computation_lowered:
.L_overlay_start_0:
0x88: {  	s0 =	sld [smem:$0x3FD9]  }
0x89: {  	s1 =	sld [smem:$0x3FFE];
	_ =	sdelay $0x3  }
0x8a: {  	s0 =	sadd.s32 s1, s0  }
0x8b: {  	[smem:$0x3FC5] =	sst s0  }
0x8c: {  	_ = 	snop  }
0x8d: {  	s0 =	sld [smem:$0x3FC9]  }
0x8e: {  	s17 =	sld [smem:$0x3FC8]  }
0x8f: {  	s2 =	sld [smem:$0x3FC7]  }
0x90: {  	s3 =	sld [smem:$0x3FD0];
	(tm) =	ssettm $0x1  }
0x91: {  	s4 =	sld [smem:$0x3FFB];
	_ =	sdelay $0x3  }
0x92: {  	_ =	strace s4  }
0x93: {  	s4 =	sld [smem:$0x3FFC];
	_ =	sdelay $0x3  }
0x94: {  	_ =	strace s4  }
0x95: {  	s4 =	sld [smem:$0x3FFD];
	_ =	sdelay $0x3  }
0x96: {  	_ =	strace s4  }
0x97: {  	_ =	strace $0x8FFFFFFF  }
0x98: {  	s18 =	sld [smem:$0x3FDB];
	_ =	sdelay $0x1  }
0x99: {  	s5 =	simm.s32 $_scs_section_size  }
0x9a: {  	s6 =	simm.s32 $_size__tile_overlayer_lowered;
	s7 =	simm.s32 $_tile_overlayer_lowered  }
0x9b: {  	s21 =	simm.s32 $0x1BFF;
	s20 =	sshll.u32 s7, $0x1;
	s4 =	sadd.s32 s5, s18  }
0x9c: {  	s8 =	simm.s32 $0x0;
	s19 =	sshll.u32 s6, $0x1;
	s6 =	sadd.s32 s20, s4  }
0x9d: {  	[timem:s8], [sflag:s21] =	dma.local [hbm:s6], s19  }
0x9e: {  	_ =	swait.ge [sflag:s21], s19  }
0x9f: {  	s5 =	ssub.s32 $0x0, s19;
	[sflag:s21] =	ssyncset.done $0x0  }
0xa0: {  	[sflag:s21] =	ssyncadd.s32 s5;
	_ =	sdelay $0x1  }
0xa1: {  	s22 =	simm.s32 $0x1B8B  }
0xa2: {  	_ =	swait.ge [sflag:s22], $0x1  }
0xa3: {  	[sflag:s22] =	ssyncset.done $0x0  }
0xa4: {  	s23 =	simm.s32 $0x1B8E;
	[sflag:s22] =	ssyncadd.s32 $0xFFFFFFFF  }
0xa5: {  	s24 =	simm.s32 $execute0_lowered;
	[smem:$0x3FD2] =	sst s23  }
0xa6: {  	s5 =	sshll.u32 s24, $0x1;
	_ =	strace $0x80000046;
	[dreg:$0x1] =	wrdreg $0xFFFFFFFF  }
0xa7: {  	s25 =	simm.s32 $_size_execute0_lowered;
	s4 =	sadd.s32 s4, s5;
	[dreg:$0x0] =	wrdreg $0x0  }
0xa8: {  	s5 =	sshll.u32 s25, $0x1;
	[dreg:$0x2] =	wrdreg s4  }
0xa9: {  	[dreg:$0x3] =	wrdreg s5  }
0xaa: {  	[dreg:$0x4] =	wrdreg $0xC0  }
0xab: {  	_ =	task [dreg:s8], $0x5FFFF  }
0xac: {  	[dreg:$0x1] =	wrdreg $0xFFFFFFFF  }
0xad: {  	[dreg:$0x0] =	wrdreg $0x60  }
0xae: {  	[dreg:$0x2] =	wrdreg s0  }
0xaf: {  	[dreg:$0x3] =	wrdreg s17  }
0xb0: {  	[dreg:$0x4] =	wrdreg s2  }
0xb1: {  	[dreg:$0x5] =	wrdreg s3  }
0xb2: {  	[dreg:$0x6] =	wrdreg $0x9  }
0xb3: {  	_ =	task.clear_ibuf [dreg:s8], $0x7FFFF;
	_ =	strace $0x90000046  }
0xb4: {  	s26 =	simm.s32 $0x9;
	_ =	strace $0x80000048  }
0xb5: {  	_ =	swait.ge [sflag:s26], $0x1  }
0xb6: {  	[sflag:s26] =	ssyncadd.s32 $0xFFFFFFFF  }
0xb7: {  	_ =	strace $0x90000048  }
0xb8: {  	_ =	sfence  }
0xb9: {  	s28 =	sld [smem:$0x0];
	_ =	sdelay $0x1  }
0xba: {  	s29 =	srdreg.scid  }
0xbb: {  	s30 =	sshll.u32 s29, $0xD;
	s31 =	sshrl.u32 s29, $0x2  }
0xbc: {  	s1 =	sand.u32 $0x1, s29;
	s2 =	sand.u32 $0x4000, s30;
	s0 =	sadd.s32 s31, s28  }
0xbd: {  	s1 =	sor.u32 s2, s1;
	s0 =	sshll.u32 s0, $0x11  }
0xbe: {  	s0 =	sor.u32 s0, s1  }
0xbf: {  	s0 =	sadd.s32 $0x8F2B, s0  }
0xc0: {  	[sflag:s0] =	ssyncadd.remote.s32 $0x1  }
0xc1: {  	_ =	sfence.sel $0xFFFF  }
0xc2: {  	[dreg:$0x0] =	wrdreg $0xFFFFFFFF;
	(pc) =	sbr.abs _section_cstart, $3  }
0xc3: {  	[dreg:$0x1] =	wrdreg $0xFFFFFFFF  }
0xc4: {  	_ =	task.clear_ibuf [dreg:s8], $0x2FFFF;
	_ =	strace $0x9FFFFFFF  }
0xc5: {  	(tm) =	ssettm $0x7FFFFFFF  }
tec
execute0_lowered:
.L_overlay_start_1:
0x0: {  	(tag) =	ssettag $0x1  }
0x1: {  	s3 =	rddreg [dreg:$0x0]  }
0x2: {  	s4 =	rddreg [dreg:$0x1]  }
0x3: {  	s5 =	rddreg [dreg:$0x2]  }
0x4: {  	s1 =	rddreg [dreg:$0x3];
	s2 =	stileid.u32  }
0x5: {  	s0 =	rddreg [dreg:$0x4];
	_ =	strace $0x80000047;
	p0 =	sne.s32 s2, $0x0  }
0x6: {  	_ =	sfence.sel @p0 $0x180000  }
0x7: {  	[bflag:$0x0] =	sbarrier.arrive @p0 $0xFFFF  }
0x8: {  	_ =	strace @p0 $0x90000047  }
0x9: {  	[bflag:$0x2] =	sbarrier.arrive @p0 $0xFFFF  }
0xa: {  	_ =	shalt @p0  }
.LBB2_1:
0xb: {  	s2 =	simm.s32 $0x0  }
0xc: {  	[tilespmem:s2], [sflag:$0x1] =	stream.linear.gather [hbm4b:s5+s2], $0x2, $0x38;
	[tilespmem:$0x4100] =	vst v63  }
0xd: {  	s26 =	simm.s32 $0x80  }
0xe: {  	[tilespmem:s26], [sflag:$0x2] =	stream.linear.gather [hbm4b:s4+s2], $0x80, $0x38;
	[tilespmem:$0x4100] =	vst v63  }
0xf: {  	s28 =	simm.s32 $0x100;
	s29 =	simm.s32 $0x1  }
0x10: {  	[tilespmem:s28], [sflag:$0x3] =	stream.linear.gather [hbm4b:s3+s2], $0x4000, $0x38;
	[tilespmem:$0x4100] =	vst v63  }
0x11: {  	_ =	swait.ge [sflag:s29], $0x2  }
0x12: {  	[sflag:s29] =	ssyncset.done $0x0  }
0x13: {  	[sflag:s29] =	ssyncadd.s32 $0xFFFFFFFE  }
0x14: {  	v0 =	vld [tilespmem:$0x0];
	_ =	sdelay $0x4  }
0x15: {  	(v2sf) =	vpush v0, $0x0  }
0x16: {  	(v2sf) =	vpush v0, $0x1;
	_ =	sdelay $0xd  }
0x17: {  	s3 =	spop (v2sf)  }
0x18: {  	s5 =	spop (v2sf)  }
0x19: {  	s30 =	sshrl.u32 s5, $0x13;
	s6 =	sshll.u32 s5, $0xD  }
0x1a: {  	s7 =	sadd.s32 s5, s3;
	s4 =	sor.u32 s30, s6  }
0x1b: {  	s4 =	sxor.u32 s7, s4  }
0x1c: {  	s31 =	sshrl.u32 s4, $0x11;
	s8 =	sshll.u32 s4, $0xF  }
0x1d: {  	s4 =	sadd.s32 s7, s4;
	s6 =	sor.u32 s31, s8  }
0x1e: {  	s6 =	sxor.u32 s4, s6  }
0x1f: {  	s9 =	sshrl.u32 s6, $0x6;
	s10 =	sshll.u32 s6, $0x1A  }
0x20: {  	s4 =	sadd.s32 s4, s6;
	s11 =	sor.u32 s9, s10  }
0x21: {  	s6 =	sxor.u32 s4, s11  }
0x22: {  	s12 =	sshrl.u32 s6, $0x1A;
	s13 =	sshll.u32 s6, $0x6  }
0x23: {  	s9 =	sxor.u32 s3, s5;
	s6 =	sadd.s32 s4, s6;
	s7 =	sor.u32 s12, s13  }
0x24: {  	s4 =	sxor.u32 $0x1BD11BDA, s9;
	s7 =	sxor.u32 s6, s7  }
0x25: {  	s7 =	sadd.s32 s7, s4  }
0x26: {  	s7 =	sadd.s32 $0x1, s7  }
0x27: {  	s6 =	sadd.s32 s5, s6;
	s14 =	sshrl.u32 s7, $0xF;
	s15 =	sshll.u32 s7, $0x11  }
0x28: {  	s6 =	sadd.s32 s7, s6;
	s16 =	sor.u32 s14, s15  }
0x29: {  	s7 =	sxor.u32 s6, s16  }
0x2a: {  	s17 =	sshrl.u32 s7, $0x3;
	s18 =	sshll.u32 s7, $0x1D  }
0x2b: {  	s6 =	sadd.s32 s6, s7;
	s19 =	sor.u32 s17, s18  }
0x2c: {  	s7 =	sxor.u32 s6, s19  }
0x2d: {  	s20 =	sshrl.u32 s7, $0x10;
	s21 =	sshll.u32 s7, $0x10  }
0x2e: {  	s6 =	sadd.s32 s6, s7;
	s22 =	sor.u32 s20, s21  }
0x2f: {  	s7 =	sxor.u32 s6, s22  }
0x30: {  	s23 =	sshrl.u32 s7, $0x8;
	s24 =	sshll.u32 s7, $0x18  }
0x31: {  	s6 =	sadd.s32 s6, s7;
	s25 =	sor.u32 s23, s24  }
0x32: {  	s7 =	sxor.u32 s6, s25  }
0x33: {  	s7 =	sadd.s32 s7, s3  }
0x34: {  	s7 =	sadd.s32 $0x2, s7  }
0x35: {  	s6 =	sadd.s32 s4, s6;
	s26 =	sshrl.u32 s7, $0x13;
	s28 =	sshll.u32 s7, $0xD  }
0x36: {  	s6 =	sadd.s32 s7, s6;
	s29 =	sor.u32 s26, s28  }
0x37: {  	s7 =	sxor.u32 s6, s29  }
0x38: {  	s30 =	sshrl.u32 s7, $0x11;
	s31 =	sshll.u32 s7, $0xF  }
0x39: {  	s6 =	sadd.s32 s6, s7;
	s10 =	sor.u32 s30, s31  }
0x3a: {  	s7 =	sxor.u32 s6, s10  }
0x3b: {  	s10 =	simm.s32 $0x2;
	s11 =	sshrl.u32 s7, $0x6;
	s12 =	sshll.u32 s7, $0x1A  }
0x3c: {  	s6 =	sadd.s32 s6, s7;
	_ =	swait.ge [sflag:s10], $0x80;
	s13 =	sor.u32 s11, s12  }
0x3d: {  	[sflag:s10] =	ssyncset.done $0x0;
	s7 =	sxor.u32 s6, s13  }
0x3e: {  	[sflag:s10] =	ssyncadd.s32 $0xFFFFFF80;
	s14 =	sshrl.u32 s7, $0x1A;
	s15 =	sshll.u32 s7, $0x6  }
0x3f: {  	s6 =	sadd.s32 s6, s7;
	v55 =	vld [tilespmem:$0x80];
	s16 =	sor.u32 s14, s15  }
0x40: {  	s7 =	sxor.u32 s6, s16  }
0x41: {  	v1 =	vld [tilespmem:$0x90];
	s7 =	sadd.s32 s7, s5  }
0x42: {  	s7 =	sadd.s32 $0x3, s7  }
0x43: {  	v2 =	vld [tilespmem:$0xA0];
	s6 =	sadd.s32 s3, s6;
	s17 =	sshrl.u32 s7, $0xF;
	s18 =	sshll.u32 s7, $0x11  }
0x44: {  	s6 =	sadd.s32 s7, s6;
	(xrf2) =	vadd.scan.msk.f32 $0xffff, v55;
	s19 =	sor.u32 s17, s18  }
0x45: {  	v56 =	vld [tilespmem:$0xB0];
	s7 =	sxor.u32 s6, s19  }
0x46: {  	(xrf2) =	vadd.scan.msk.f32 $0xffff, v1;
	s20 =	sshrl.u32 s7, $0x3;
	s21 =	sshll.u32 s7, $0x1D  }
0x47: {  	s6 =	sadd.s32 s6, s7;
	s22 =	sor.u32 s20, s21  }
0x48: {  	(xrf2) =	vadd.scan.msk.f32 $0xffff, v2;
	s7 =	sxor.u32 s6, s22  }
0x49: {  	s23 =	sshrl.u32 s7, $0x10;
	s24 =	sshll.u32 s7, $0x10  }
0x4a: {  	(xrf2) =	vadd.scan.msk.f32 $0xffff, v56;
	s6 =	sadd.s32 s6, s7;
	s25 =	sor.u32 s23, s24  }
0x4b: {  	s7 =	sxor.u32 s6, s25  }
0x4c: {  	s26 =	sshrl.u32 s7, $0x8;
	s28 =	sshll.u32 s7, $0x18  }
0x4d: {  	s6 =	sadd.s32 s6, s7;
	s29 =	sor.u32 s26, s28  }
0x4e: {  	v57, _, _ =	vpop (xrf2);
	s7 =	sxor.u32 s6, s29  }
0x4f: {  	(v2sf) =	vpush v57, $0xF;
	s7 =	sadd.s32 s7, s4  }
0x50: {  	v1, _, _ =	vpop (xrf2);
	s7 =	sadd.s32 $0x4, s7  }
0x51: {  	s5 =	sadd.s32 s5, s6;
	(v2sf) =	vpush v1, $0xF;
	s30 =	sshrl.u32 s7, $0x13;
	s31 =	sshll.u32 s7, $0xD  }
0x52: {  	v2, _, _ =	vpop (xrf2);
	s5 =	sadd.s32 s7, s5;
	s6 =	sor.u32 s30, s31  }
0x53: {  	(v2sf) =	vpush v2, $0xF;
	s6 =	sxor.u32 s5, s6  }
0x54: {  	v3, _, _ =	vpop (xrf2);
	s8 =	sshrl.u32 s6, $0x11;
	s9 =	sshll.u32 s6, $0xF  }
0x55: {  	(v2sf) =	vpush v3, $0xF;
	s5 =	sadd.s32 s5, s6;
	s10 =	sor.u32 s8, s9  }
0x56: {  	s6 =	sxor.u32 s5, s10  }
0x57: {  	s11 =	sshrl.u32 s6, $0x6;
	s12 =	sshll.u32 s6, $0x1A  }
0x58: {  	s5 =	sadd.s32 s5, s6;
	s13 =	sor.u32 s11, s12  }
0x59: {  	s6 =	sxor.u32 s5, s13  }
0x5a: {  	s14 =	sshrl.u32 s6, $0x1A;
	s15 =	sshll.u32 s6, $0x6  }
0x5b: {  	s5 =	sadd.s32 s5, s6;
	s16 =	sor.u32 s14, s15  }
0x5c: {  	s6 =	sxor.u32 s5, s16  }
0x5d: {  	s3 =	sadd.s32 s6, s3  }
0x5e: {  	s4 =	sadd.s32 s4, s5;
	s17 =	spop (v2sf);
	s3 =	sadd.s32 $0x5, s3  }
0x5f: {  	s18 =	sadd.f32 $0.0e+00, s17;
	s3 =	sxor.u32 s4, s3  }
0x60: {  	s19 =	spop (v2sf);
	s3 =	sshrl.u32 s3, $0x9  }
0x61: {  	s5 =	sadd.f32 s19, s18;
	s3 =	sor.u32 $0x3F800000, s3  }
0x62: {  	s20 =	spop (v2sf);
	s3 =	sadd.f32 $-1.000000000e+00, s3  }
0x63: {  	s6 =	sadd.f32 s20, s5  }
0x64: {  	s21 =	spop (v2sf);
	s3 =	ssub.f32 $1.000000000e+00, s3  }
0x65: {  	s7 =	sadd.f32 s21, s6;
	_ =	sdelay $0x1  }
0x66: {  	s3 =	smul.f32 s3, s7  }
0x67: {  	v1 =	vadd.f32 s18, v1  }
0x68: {  	v58 =	vimm.s32 $0x0;
	v2 =	vadd.f32 s5, v2;
	vm0 =	vlt.f32 v57, s3  }
0x69: {  	v3 =	vadd.f32 s6, v3;
	vm13 =	vlt.f32 v1, s3;
	v4 =	vsel vm0, $0x1, v58  }
0x6a: {  	vm14 =	vlt.f32 v2, s3;
	v1 =	vsel vm13, $0x1, v58;
	(xrf0) =	vadd.scan.msk.s32 $0xffff, v4  }
0x6b: {  	vm15 =	vlt.f32 v3, s3;
	v59 =	vsel vm14, $0x1, v58;
	(xrf0) =	vadd.scan.msk.s32 $0xffff, v1  }
0x6c: {  	v0 =	vsel vm15, $0x1, v58;
	(xrf0) =	vadd.scan.msk.s32 $0xffff, v59  }
0x6d: {  	(xrf0) =	vadd.scan.msk.s32 $0xffff, v0;
	_ =	sdelay $0x2  }
0x6e: {  	v60, _, _ =	vpop (xrf0)  }
0x6f: {  	v61, _, _ =	vpop (xrf0);
	(v2sf) =	vpush v60, $0xF  }
0x70: {  	v62, _, _ =	vpop (xrf0);
	(v2sf) =	vpush v61, $0xF  }
0x71: {  	(v2sf) =	vpush v62, $0xF;
	v63, _, _ =	vpop (xrf0)  }
0x72: {  	(v2sf) =	vpush v63, $0xF;
	_ =	sdelay $0xb  }
0x73: {  	s22 =	spop (v2sf)  }
0x74: {  	s23 =	spop (v2sf)  }
0x75: {  	s24 =	spop (v2sf);
	s3 =	sadd.s32 s23, s22  }
0x76: {  	s3 =	sadd.s32 s24, s3;
	s25 =	spop (v2sf)  }
0x77: {  	s3 =	sadd.s32 s25, s3  }
0x78: {  	s26 =	simm.s32 $0x3;
	s28 =	sshll.u32 s3, $0x8;
	s3 =	sshll.u32 s3, $0x7  }
0x79: {  	_ =	swait.ge [sflag:s26], $0x4000;
	s5 =	sand.u32 $0xFFFFF800, s28;
	s3 =	sand.u32 $0x380, s3  }
0x7a: {  	[sflag:s26] =	ssyncset.done $0x0;
	s3 =	sor.u32 s3, s5  }
0x7b: {  	[sflag:s26] =	ssyncadd.s32 $0xFFFFC000;
	s29 =	sadd.s32 $0x100, s3  }
0x7c: {  	[hbm4b:s1+s2] =	stream.linear.scatter [tilespmem:s29], [sflag:$0x4], $0x80, $0x38;
	[tilespmem:$0x4100] =	vst v63  }
0x7d: {  	s30 =	sadd.s32 $0x10, s1;
	s31 =	simm.s32 $0x4;
	s3 =	sadd.s32 $0x500, s3  }
0x7e: {  	[hbm4b:s30+s2] =	stream.linear.scatter [tilespmem:s3], [sflag:$0x4], $0x80, $0x38;
	[tilespmem:$0x4100] =	vst v63  }
0x7f: {  	_ =	swait.ge [sflag:s31], $0x100  }
0x80: {  	[sflag:s31] =	ssyncset.done $0x0  }
0x81: {  	[sflag:s31] =	ssyncadd.s32 $0xFFFFFF00  }
0x82: {  	_ =	sfence.sel $0x180000  }
0x83: {  	[bflag:$0x0] =	sbarrier.arrive $0xFFFF  }
0x84: {  	_ =	strace $0x90000047  }
0x85: {  	s0 =	sadd.s32 $0x100000, s0;
	[bflag:$0x2] =	sbarrier.arrive $0xFFFF  }
0x86: {  	[sflag:s0] =	ssyncadd.tile.s32 $0x1;
	_ =	shalt  }
.Lfunc_end2:
_tile_overlayer_lowered:
.L_overlay_start_2:
0x87: {  	(tag) =	ssettag $0x2  }
0x88: {  	s0 =	rddreg [dreg:$0x0];
	s2 =	stileid.u32  }
0x89: {  	s1 =	rddreg [dreg:$0x1];
	p0 =	sne.s32 s2, $0x0  }
0x8a: {  	s3 =	rddreg [dreg:$0x2];
	[bflag:$0x3] =	sbarrier.arrive $0xFFFF;
	s2 =	simm.s32 @!p0 $0x1C04  }
0x8b: {  	[timem:s3], [sflag:s2] =	dma.local @!p0 [hbm:s0], s1  }
0x8c: {  	s0 =	simm.s32 @!p0 $0x4  }
0x8d: {  	_ =	swait.ge @!p0 [sflag:s0], s1  }
0x8e: {  	s1 =	ssub.s32 @!p0 $0x0, s1;
	[sflag:s0] =	ssyncset.done @!p0 $0x0  }
0x8f: {  	[sflag:s0] =	ssyncadd.s32 @!p0 s1  }
0x90: {  	[bflag:$0x3] =	sbarrier.arrive $0xFFFF  }
0x91: {  	_ =	shalt  }

</sc_bundles>
